<compile_context>
chip_gen: v7x
topology: tpu7x:2x2x1
jax: 0.10.2.dev20260603
libtpu: 0.0.44.dev20260713+nightly
codegen_flags: <defaults>
</compile_context>

<pallas_src>
import functools

import jax
import jax.numpy as jnp
from jax import lax
from jax.experimental import pallas as pl
from jax.experimental.pallas import tpu as pltpu
from jax.experimental.pallas import tpu_sc as plsc

NC = 2
NS = 16
L = 16

SPAD = 208
NG = SPAD // L
CH = 104


def kernel(embed, shortlist, sp_weight, sp_bias):
    B, S = shortlist.shape
    H = embed.shape[1]
    short_flat = shortlist.astype(jnp.int32).reshape(-1)
    embed_flat = embed.reshape(-1)
    bias_flat = sp_bias.reshape(-1)

    NW = NC * NS
    BPW = B // NW

    mesh = plsc.VectorSubcoreMesh(core_axis_name="c", subcore_axis_name="s")

    @functools.partial(
        pl.kernel,
        out_type=jax.ShapeDtypeStruct((B * S,), jnp.float32),
        mesh=mesh,
        compiler_params=pltpu.CompilerParams(
            needs_layout_passes=False, use_tc_tiling_on_sc=False),
        scratch_types=[
            pltpu.VMEM((2, CH), jnp.int32),
            pltpu.VMEM((SPAD, H), jnp.float32),
            pltpu.VMEM((SPAD,), jnp.float32),
            pltpu.VMEM((H,), jnp.float32),
            pltpu.VMEM((SPAD,), jnp.float32),
            pltpu.SemaphoreType.DMA,
        ],
    )
    def run(embed_hbm, short_hbm, table_hbm, bias_hbm, out_hbm,
            idx2, rows_v, bias_v, emb_v, out_v, sem):
        wid = lax.axis_index("s") * NC + lax.axis_index("c")
        base = wid * BPW
        iota = lax.iota(jnp.int32, L)
        svecs = [jnp.int32(g * L) + iota for g in range(NG)]

        def body(i, carry):
            b = base + i
            pltpu.sync_copy(short_hbm.at[pl.ds(b * S, CH)], idx2.at[0])
            pltpu.sync_copy(short_hbm.at[pl.ds(b * S + CH, S - CH)],
                            idx2.at[1, pl.ds(0, S - CH)])
            tail = idx2[1, pl.ds(S - CH - 8, L)]
            idx2[1, pl.ds(S - CH - 8, L)] = jnp.where(iota < 8, tail, 0)
            pltpu.sync_copy(embed_hbm.at[pl.ds(b * H, H)], emb_v)
            cps = [
                pltpu.async_copy(table_hbm.at[idx2.at[0]],
                                 rows_v.at[pl.ds(0, CH)], sem),
                pltpu.async_copy(table_hbm.at[idx2.at[1]],
                                 rows_v.at[pl.ds(CH, CH)], sem),
                pltpu.async_copy(bias_hbm.at[idx2.at[0]],
                                 bias_v.at[pl.ds(0, CH)], sem),
                pltpu.async_copy(bias_hbm.at[idx2.at[1]],
                                 bias_v.at[pl.ds(CH, CH)], sem),
            ]
            for cp in cps:
                cp.wait()

            accs = tuple(bias_v[pl.ds(g * L, L)] for g in range(NG))

            def hbody(h, accs):
                hv = jnp.full((L,), h, dtype=jnp.int32)
                eb = plsc.load_gather(emb_v, [hv])
                return tuple(
                    acc + plsc.load_gather(rows_v, [sv, hv]) * eb
                    for acc, sv in zip(accs, svecs)
                )

            accs = lax.fori_loop(0, H, hbody, accs)
            for g in range(NG):
                out_v[pl.ds(g * L, L)] = accs[g]
            pltpu.sync_copy(out_v.at[pl.ds(0, S)],
                            out_hbm.at[pl.ds(b * S, S)])
            return carry

        lax.fori_loop(0, BPW, body, 0)

    out = run(embed_flat, short_flat, sp_weight, bias_flat)
    return out.reshape(B, S)

# --- scband reference (transcript-rebuilt; emitter-appended) ---
"""Pipeline reference for scband-sparse-linear-43447889166980 (READ-ONLY COPY).

The authoritative reference and input builder live on the scoring server;
editing this copy changes nothing except your own understanding.
"""

import jax, jax.numpy as jnp
import numpy as np
import math

HIDDEN = 64
NUM_LABELS = 1000000
BATCH = 4096
SHORT = 200

def setup_inputs(seed: int = 0) -> dict:
    key = jax.random.key(seed)
    k1, k2, k3, k4 = jax.random.split(key, 4)
    embed = jax.random.normal(k1, (BATCH, HIDDEN), dtype=jnp.float32)
    shortlist = jax.random.randint(k2, (BATCH, SHORT), 0, NUM_LABELS, dtype=jnp.int64)
    stdv = 1.0 / math.sqrt(HIDDEN)
    sp_weight = jax.random.uniform(k3, (NUM_LABELS, HIDDEN), dtype=jnp.float32, minval=-stdv, maxval=stdv)
    sp_bias = jax.random.uniform(k4, (NUM_LABELS, 1), dtype=jnp.float32, minval=-stdv, maxval=stdv)
    return {"embed": embed, "shortlist": shortlist, "sp_weight": sp_weight, "sp_bias": sp_bias}

def reference(embed, shortlist, sp_weight, sp_bias):
    # F.embedding(shortlist, sp_weight) -> gather rows: [B, S, H]
    short_weights = jnp.take(sp_weight, shortlist, axis=0)
    # embed.unsqueeze(1) @ short_weights.permute(0,2,1): [B,1,H] @ [B,H,S] -> [B,1,S]
    out = jnp.matmul(embed[:, None, :], jnp.transpose(short_weights, (0, 2, 1)))
    # bias gather: [B, S, 1] -> permute(0,2,1) -> [B, 1, S]
    short_bias = jnp.take(sp_bias, shortlist, axis=0)
    out = out + jnp.transpose(short_bias, (0, 2, 1))
    return jnp.squeeze(out)

if __name__ == "__main__":
    import jax
    _d = setup_inputs()
    print(jax.jit(kernel)(*tuple(_d.values())))

</pallas_src>

<mosaic_0001>
#map = affine_map<(d0, d1) -> (0)>
#map1 = affine_map<(d0, d1) -> (0, 0)>
module attributes {stable_mosaic.version = 14 : i64} {
  func.func @run(%arg0: i32, %arg1: i32, %arg2: memref<262144xf32, #tpu.memory_space<hbm>>, %arg3: memref<819200xi32, #tpu.memory_space<hbm>>, %arg4: memref<1000000x64xf32, #tpu.memory_space<hbm>>, %arg5: memref<1000000xf32, #tpu.memory_space<hbm>>, %arg6: memref<819200xf32, #tpu.memory_space<hbm>>, %arg7: memref<2x104xi32, #tpu.memory_space<vmem>>, %arg8: memref<208x64xf32, #tpu.memory_space<vmem>>, %arg9: memref<208xf32, #tpu.memory_space<vmem>>, %arg10: memref<64xf32, #tpu.memory_space<vmem>>, %arg11: memref<208xf32, #tpu.memory_space<vmem>>, %arg12: memref<!tpu.dma_semaphore, #tpu.memory_space<semaphore_mem>>) attributes {dimension_semantics = [#tpu.dimension_semantics<core_parallel>, #tpu.dimension_semantics<subcore_parallel>], iteration_bounds = array<i64: 2, 16>, scalar_prefetch = 0 : i64, scratch_operands = 6 : i64, tpu.core_type = #tpu.core_type<sc_vector_subcore>, window_params = [{transform_indices = #map}, {transform_indices = #map}, {transform_indices = #map1}, {transform_indices = #map}, {transform_indices = #map}]} {
    %mul3A = arith.constant 2 : i32
    %mul3A_0 = arith.muli %arg1, %mul3A : i32
    %add3A = arith.addi %mul3A_0, %arg0 : i32
    %mul3A_1 = arith.constant 128 : i32
    %mul3A_2 = arith.muli %add3A, %mul3A_1 : i32
    %iota3A = tpu.iota {dimensions = array<i32: 0>} : vector<16xi32>
    %add3A_3 = arith.constant 0 : i32
    %add3A_4 = vector.broadcast %add3A_3 : i32 to vector<16xi32>
    %add3A_5 = arith.addi %add3A_4, %iota3A : vector<16xi32>
    %add3A_6 = arith.constant 16 : i32
    %add3A_7 = vector.broadcast %add3A_6 : i32 to vector<16xi32>
    %add3A_8 = arith.addi %add3A_7, %iota3A : vector<16xi32>
    %add3A_9 = arith.constant 32 : i32
    %add3A_10 = vector.broadcast %add3A_9 : i32 to vector<16xi32>
    %add3A_11 = arith.addi %add3A_10, %iota3A : vector<16xi32>
    %add3A_12 = arith.constant 48 : i32
    %add3A_13 = vector.broadcast %add3A_12 : i32 to vector<16xi32>
    %add3A_14 = arith.addi %add3A_13, %iota3A : vector<16xi32>
    %add3A_15 = arith.constant 64 : i32
    %add3A_16 = vector.broadcast %add3A_15 : i32 to vector<16xi32>
    %add3A_17 = arith.addi %add3A_16, %iota3A : vector<16xi32>
    %add3A_18 = arith.constant 80 : i32
    %add3A_19 = vector.broadcast %add3A_18 : i32 to vector<16xi32>
    %add3A_20 = arith.addi %add3A_19, %iota3A : vector<16xi32>
    %add3A_21 = arith.constant 96 : i32
    %add3A_22 = vector.broadcast %add3A_21 : i32 to vector<16xi32>
    %add3A_23 = arith.addi %add3A_22, %iota3A : vector<16xi32>
    %add3A_24 = arith.constant 112 : i32
    %add3A_25 = vector.broadcast %add3A_24 : i32 to vector<16xi32>
    %add3A_26 = arith.addi %add3A_25, %iota3A : vector<16xi32>
    %add3A_27 = arith.constant 128 : i32
    %add3A_28 = vector.broadcast %add3A_27 : i32 to vector<16xi32>
    %add3A_29 = arith.addi %add3A_28, %iota3A : vector<16xi32>
    %add3A_30 = arith.constant 144 : i32
    %add3A_31 = vector.broadcast %add3A_30 : i32 to vector<16xi32>
    %add3A_32 = arith.addi %add3A_31, %iota3A : vector<16xi32>
    %add3A_33 = arith.constant 160 : i32
    %add3A_34 = vector.broadcast %add3A_33 : i32 to vector<16xi32>
    %add3A_35 = arith.addi %add3A_34, %iota3A : vector<16xi32>
    %add3A_36 = arith.constant 176 : i32
    %add3A_37 = vector.broadcast %add3A_36 : i32 to vector<16xi32>
    %add3A_38 = arith.addi %add3A_37, %iota3A : vector<16xi32>
    %add3A_39 = arith.constant 192 : i32
    %add3A_40 = vector.broadcast %add3A_39 : i32 to vector<16xi32>
    %add3A_41 = arith.addi %add3A_40, %iota3A : vector<16xi32>
    %scan3A = arith.constant 0 : i32
    %scan3A_42 = arith.constant 0 : i32
    %scan3A_43 = arith.constant 128 : i32
    %scan3A_44 = arith.addi %scan3A_42, %scan3A_43 : i32
    %scan3A_45 = arith.constant 1 : i32
    scf.for %scan3A_47 = %scan3A_42 to %scan3A_44 step %scan3A_45  : i32 {
      %add3A_48 = arith.addi %mul3A_2, %scan3A_47 : i32
      %mul3A_49 = arith.constant 200 : i32
      %mul3A_50 = arith.muli %add3A_48, %mul3A_49 : i32
      %run_scoped3A = arith.constant 0 : i32
      "tpu.region"() ({
        %run_scoped3A_196 = tpu.sem_alloc : memref<!tpu.dma_semaphore, #tpu.memory_space<semaphore_mem>>
        %dma_start3A_197 = arith.constant 0 : i32
        %dma_start3A_198 = tpu.memref_slice %arg7[%run_scoped3A, %dma_start3A_197] : memref<2x104xi32, #tpu.memory_space<vmem>> -> memref<1x104xi32, #tpu.memory_space<vmem>>
        %dma_start3A_199 = tpu.memref_squeeze %dma_start3A_198 : memref<1x104xi32, #tpu.memory_space<vmem>> -> memref<104xi32, #tpu.memory_space<vmem>>
        %dma_start3A_200 = tpu.memref_slice %arg3[%mul3A_50] : memref<819200xi32, #tpu.memory_space<hbm>> -> memref<104xi32, #tpu.memory_space<hbm>>
        %dma_start3A_201 = arith.constant 0 : i32
        %dma_start3A_202 = tpu.memref_slice %arg7[%run_scoped3A, %dma_start3A_201] : memref<2x104xi32, #tpu.memory_space<vmem>> -> memref<1x104xi32, #tpu.memory_space<vmem>>
        %dma_start3A_203 = tpu.memref_squeeze %dma_start3A_202 : memref<1x104xi32, #tpu.memory_space<vmem>> -> memref<104xi32, #tpu.memory_space<vmem>>
        %dma_start3A_204 = tpu.memref_slice %arg3[%mul3A_50] : memref<819200xi32, #tpu.memory_space<hbm>> -> memref<104xi32, #tpu.memory_space<hbm>>
        tpu.enqueue_dma source(%dma_start3A_204 : memref<104xi32, #tpu.memory_space<hbm>>) target(%dma_start3A_203 : memref<104xi32, #tpu.memory_space<vmem>>) target_semaphore(%run_scoped3A_196 : memref<!tpu.dma_semaphore, #tpu.memory_space<semaphore_mem>>)
        %dma_wait3A_205 = arith.constant 0 : i32
        %dma_wait3A_206 = tpu.memref_slice %arg7[%run_scoped3A, %dma_wait3A_205] : memref<2x104xi32, #tpu.memory_space<vmem>> -> memref<1x104xi32, #tpu.memory_space<vmem>>
        %dma_wait3A_207 = tpu.memref_squeeze %dma_wait3A_206 : memref<1x104xi32, #tpu.memory_space<vmem>> -> memref<104xi32, #tpu.memory_space<vmem>>
        %dma_wait3A_208 = tpu.memref_slice %arg3[%mul3A_50] : memref<819200xi32, #tpu.memory_space<hbm>> -> memref<104xi32, #tpu.memory_space<hbm>>
        %dma_wait3A_209 = arith.constant 0 : i32
        %dma_wait3A_210 = tpu.memref_slice %arg7[%run_scoped3A, %dma_wait3A_209] : memref<2x104xi32, #tpu.memory_space<vmem>> -> memref<1x104xi32, #tpu.memory_space<vmem>>
        %dma_wait3A_211 = tpu.memref_squeeze %dma_wait3A_210 : memref<1x104xi32, #tpu.memory_space<vmem>> -> memref<104xi32, #tpu.memory_space<vmem>>
        %dma_wait3A_212 = tpu.memref_slice %arg3[%mul3A_50] : memref<819200xi32, #tpu.memory_space<hbm>> -> memref<104xi32, #tpu.memory_space<hbm>>
        tpu.wait_dma2 semaphore(%run_scoped3A_196 : memref<!tpu.dma_semaphore, #tpu.memory_space<semaphore_mem>>) src(%dma_wait3A_212 : memref<104xi32, #tpu.memory_space<hbm>>) dst(%dma_wait3A_211 : memref<104xi32, #tpu.memory_space<vmem>>)
        tpu.yield
      }) : () -> ()
      %mul3A_51 = arith.constant 200 : i32
      %mul3A_52 = arith.muli %add3A_48, %mul3A_51 : i32
      %add3A_53 = arith.constant 104 : i32
      %add3A_54 = arith.addi %mul3A_52, %add3A_53 : i32
      %run_scoped3A_55 = arith.constant 1 : i32
      "tpu.region"() ({
        %run_scoped3A_196 = tpu.sem_alloc : memref<!tpu.dma_semaphore, #tpu.memory_space<semaphore_mem>>
        %dma_start3A_197 = arith.constant 0 : i32
        %dma_start3A_198 = tpu.memref_slice %arg7[%run_scoped3A_55, %dma_start3A_197] : memref<2x104xi32, #tpu.memory_space<vmem>> -> memref<1x96xi32, #tpu.memory_space<vmem>>
        %dma_start3A_199 = tpu.memref_squeeze %dma_start3A_198 : memref<1x96xi32, #tpu.memory_space<vmem>> -> memref<96xi32, #tpu.memory_space<vmem>>
        %dma_start3A_200 = tpu.memref_slice %arg3[%add3A_54] : memref<819200xi32, #tpu.memory_space<hbm>> -> memref<96xi32, #tpu.memory_space<hbm>>
        %dma_start3A_201 = arith.constant 0 : i32
        %dma_start3A_202 = tpu.memref_slice %arg7[%run_scoped3A_55, %dma_start3A_201] : memref<2x104xi32, #tpu.memory_space<vmem>> -> memref<1x96xi32, #tpu.memory_space<vmem>>
        %dma_start3A_203 = tpu.memref_squeeze %dma_start3A_202 : memref<1x96xi32, #tpu.memory_space<vmem>> -> memref<96xi32, #tpu.memory_space<vmem>>
        %dma_start3A_204 = tpu.memref_slice %arg3[%add3A_54] : memref<819200xi32, #tpu.memory_space<hbm>> -> memref<96xi32, #tpu.memory_space<hbm>>
        tpu.enqueue_dma source(%dma_start3A_204 : memref<96xi32, #tpu.memory_space<hbm>>) target(%dma_start3A_203 : memref<96xi32, #tpu.memory_space<vmem>>) target_semaphore(%run_scoped3A_196 : memref<!tpu.dma_semaphore, #tpu.memory_space<semaphore_mem>>)
        %dma_wait3A_205 = arith.constant 0 : i32
        %dma_wait3A_206 = tpu.memref_slice %arg7[%run_scoped3A_55, %dma_wait3A_205] : memref<2x104xi32, #tpu.memory_space<vmem>> -> memref<1x96xi32, #tpu.memory_space<vmem>>
        %dma_wait3A_207 = tpu.memref_squeeze %dma_wait3A_206 : memref<1x96xi32, #tpu.memory_space<vmem>> -> memref<96xi32, #tpu.memory_space<vmem>>
        %dma_wait3A_208 = tpu.memref_slice %arg3[%add3A_54] : memref<819200xi32, #tpu.memory_space<hbm>> -> memref<96xi32, #tpu.memory_space<hbm>>
        %dma_wait3A_209 = arith.constant 0 : i32
        %dma_wait3A_210 = tpu.memref_slice %arg7[%run_scoped3A_55, %dma_wait3A_209] : memref<2x104xi32, #tpu.memory_space<vmem>> -> memref<1x96xi32, #tpu.memory_space<vmem>>
        %dma_wait3A_211 = tpu.memref_squeeze %dma_wait3A_210 : memref<1x96xi32, #tpu.memory_space<vmem>> -> memref<96xi32, #tpu.memory_space<vmem>>
        %dma_wait3A_212 = tpu.memref_slice %arg3[%add3A_54] : memref<819200xi32, #tpu.memory_space<hbm>> -> memref<96xi32, #tpu.memory_space<hbm>>
        tpu.wait_dma2 semaphore(%run_scoped3A_196 : memref<!tpu.dma_semaphore, #tpu.memory_space<semaphore_mem>>) src(%dma_wait3A_212 : memref<96xi32, #tpu.memory_space<hbm>>) dst(%dma_wait3A_211 : memref<96xi32, #tpu.memory_space<vmem>>)
        tpu.yield
      }) : () -> ()
      %get3A = arith.constant 1 : i32
      %get3A_56 = arith.index_cast %get3A : i32 to index
      %get3A_57 = arith.constant 88 : index
      %get3A_58 = tpu.vector_load %arg7[%get3A_56, %get3A_57] {strides = array<i32>} : memref<2x104xi32, #tpu.memory_space<vmem>>, vector<16xi32>,
      %lt3A = arith.constant 8 : i32
      %lt3A_59 = vector.broadcast %lt3A : i32 to vector<16xi32>
      %lt3A_60 = arith.cmpi slt, %iota3A, %lt3A_59 : vector<16xi32>
      %jit3A = arith.constant 0 : i32
      %broadcast_in_dim3A = vector.broadcast %jit3A : i32 to vector<16xi32>
      %select_n3A = arith.select %lt3A_60, %get3A_58, %broadcast_in_dim3A : vector<16xi1>, vector<16xi32>
      %swap3A = arith.constant 1 : i32
      %swap3A_61 = arith.index_cast %swap3A : i32 to index
      %swap3A_62 = arith.constant 88 : index
      %swap3A_63 = tpu.vector_load %arg7[%swap3A_61, %swap3A_62] {strides = array<i32>} : memref<2x104xi32, #tpu.memory_space<vmem>>, vector<16xi32>,
      tpu.vector_store %arg7[%swap3A_61, %swap3A_62], %select_n3A {strides = array<i32>} : memref<2x104xi32, #tpu.memory_space<vmem>>, vector<16xi32>,
      %mul3A_64 = arith.constant 64 : i32
      %mul3A_65 = arith.muli %add3A_48, %mul3A_64 : i32
      "tpu.region"() ({
        %run_scoped3A_196 = tpu.sem_alloc : memref<!tpu.dma_semaphore, #tpu.memory_space<semaphore_mem>>
        %dma_start3A_197 = tpu.memref_slice %arg2[%mul3A_65] : memref<262144xf32, #tpu.memory_space<hbm>> -> memref<64xf32, #tpu.memory_space<hbm>>
        %dma_start3A_198 = tpu.memref_slice %arg2[%mul3A_65] : memref<262144xf32, #tpu.memory_space<hbm>> -> memref<64xf32, #tpu.memory_space<hbm>>
        tpu.enqueue_dma source(%dma_start3A_198 : memref<64xf32, #tpu.memory_space<hbm>>) target(%arg10 : memref<64xf32, #tpu.memory_space<vmem>>) target_semaphore(%run_scoped3A_196 : memref<!tpu.dma_semaphore, #tpu.memory_space<semaphore_mem>>)
        %dma_wait3A_199 = tpu.memref_slice %arg2[%mul3A_65] : memref<262144xf32, #tpu.memory_space<hbm>> -> memref<64xf32, #tpu.memory_space<hbm>>
        %dma_wait3A_200 = tpu.memref_slice %arg2[%mul3A_65] : memref<262144xf32, #tpu.memory_space<hbm>> -> memref<64xf32, #tpu.memory_space<hbm>>
        tpu.wait_dma2 semaphore(%run_scoped3A_196 : memref<!tpu.dma_semaphore, #tpu.memory_space<semaphore_mem>>) src(%dma_wait3A_200 : memref<64xf32, #tpu.memory_space<hbm>>) dst(%arg10 : memref<64xf32, #tpu.memory_space<vmem>>)
        tpu.yield
      }) : () -> ()
      %dma_start3A = arith.constant 0 : i32
      %dma_start3A_66 = arith.constant 0 : i32
      %dma_start3A_67 = arith.constant 0 : i32
      %dma_start3A_68 = tpu.memref_slice %arg8[%dma_start3A_66, %dma_start3A_67] : memref<208x64xf32, #tpu.memory_space<vmem>> -> memref<104x64xf32, #tpu.memory_space<vmem>>
      %dma_start3A_69 = arith.constant 0 : i32
      %dma_start3A_70 = tpu.memref_slice %arg7[%dma_start3A, %dma_start3A_69] : memref<2x104xi32, #tpu.memory_space<vmem>> -> memref<1x104xi32, #tpu.memory_space<vmem>>
      %dma_start3A_71 = tpu.memref_squeeze %dma_start3A_70 : memref<1x104xi32, #tpu.memory_space<vmem>> -> memref<104xi32, #tpu.memory_space<vmem>>
      %dma_start3A_72 = arith.constant 0 : i32
      %dma_start3A_73 = arith.constant 0 : i32
      %dma_start3A_74 = tpu.memref_slice %arg4[%dma_start3A_72, %dma_start3A_73] : memref<1000000x64xf32, #tpu.memory_space<hbm>> -> memref<1000000x64xf32, #tpu.memory_space<hbm>>
      tpu.enqueue_indirect_dma source(%dma_start3A_74 : memref<1000000x64xf32, #tpu.memory_space<hbm>>) target(%dma_start3A_68 : memref<104x64xf32, #tpu.memory_space<vmem>>) offsets(%dma_start3A_71 : memref<104xi32, #tpu.memory_space<vmem>>) semaphore(%arg12 : memref<!tpu.dma_semaphore, #tpu.memory_space<semaphore_mem>>)
      %dma_start3A_75 = arith.constant 1 : i32
      %dma_start3A_76 = arith.constant 104 : i32
      %dma_start3A_77 = arith.constant 0 : i32
      %dma_start3A_78 = tpu.memref_slice %arg8[%dma_start3A_76, %dma_start3A_77] : memref<208x64xf32, #tpu.memory_space<vmem>> -> memref<104x64xf32, #tpu.memory_space<vmem>>
      %dma_start3A_79 = arith.constant 0 : i32
      %dma_start3A_80 = tpu.memref_slice %arg7[%dma_start3A_75, %dma_start3A_79] : memref<2x104xi32, #tpu.memory_space<vmem>> -> memref<1x104xi32, #tpu.memory_space<vmem>>
      %dma_start3A_81 = tpu.memref_squeeze %dma_start3A_80 : memref<1x104xi32, #tpu.memory_space<vmem>> -> memref<104xi32, #tpu.memory_space<vmem>>
      %dma_start3A_82 = arith.constant 0 : i32
      %dma_start3A_83 = arith.constant 0 : i32
      %dma_start3A_84 = tpu.memref_slice %arg4[%dma_start3A_82, %dma_start3A_83] : memref<1000000x64xf32, #tpu.memory_space<hbm>> -> memref<1000000x64xf32, #tpu.memory_space<hbm>>
      tpu.enqueue_indirect_dma source(%dma_start3A_84 : memref<1000000x64xf32, #tpu.memory_space<hbm>>) target(%dma_start3A_78 : memref<104x64xf32, #tpu.memory_space<vmem>>) offsets(%dma_start3A_81 : memref<104xi32, #tpu.memory_space<vmem>>) semaphore(%arg12 : memref<!tpu.dma_semaphore, #tpu.memory_space<semaphore_mem>>)
      %dma_start3A_85 = arith.constant 0 : i32
      %dma_start3A_86 = arith.constant 0 : i32
      %dma_start3A_87 = tpu.memref_slice %arg9[%dma_start3A_86] : memref<208xf32, #tpu.memory_space<vmem>> -> memref<104xf32, #tpu.memory_space<vmem>>
      %dma_start3A_88 = arith.constant 0 : i32
      %dma_start3A_89 = tpu.memref_slice %arg7[%dma_start3A_85, %dma_start3A_88] : memref<2x104xi32, #tpu.memory_space<vmem>> -> memref<1x104xi32, #tpu.memory_space<vmem>>
      %dma_start3A_90 = tpu.memref_squeeze %dma_start3A_89 : memref<1x104xi32, #tpu.memory_space<vmem>> -> memref<104xi32, #tpu.memory_space<vmem>>
      %dma_start3A_91 = arith.constant 0 : i32
      %dma_start3A_92 = tpu.memref_slice %arg5[%dma_start3A_91] : memref<1000000xf32, #tpu.memory_space<hbm>> -> memref<1000000xf32, #tpu.memory_space<hbm>>
      tpu.enqueue_indirect_dma source(%dma_start3A_92 : memref<1000000xf32, #tpu.memory_space<hbm>>) target(%dma_start3A_87 : memref<104xf32, #tpu.memory_space<vmem>>) offsets(%dma_start3A_90 : memref<104xi32, #tpu.memory_space<vmem>>) semaphore(%arg12 : memref<!tpu.dma_semaphore, #tpu.memory_space<semaphore_mem>>)
      %dma_start3A_93 = arith.constant 1 : i32
      %dma_start3A_94 = arith.constant 104 : i32
      %dma_start3A_95 = tpu.memref_slice %arg9[%dma_start3A_94] : memref<208xf32, #tpu.memory_space<vmem>> -> memref<104xf32, #tpu.memory_space<vmem>>
      %dma_start3A_96 = arith.constant 0 : i32
      %dma_start3A_97 = tpu.memref_slice %arg7[%dma_start3A_93, %dma_start3A_96] : memref<2x104xi32, #tpu.memory_space<vmem>> -> memref<1x104xi32, #tpu.memory_space<vmem>>
      %dma_start3A_98 = tpu.memref_squeeze %dma_start3A_97 : memref<1x104xi32, #tpu.memory_space<vmem>> -> memref<104xi32, #tpu.memory_space<vmem>>
      %dma_start3A_99 = arith.constant 0 : i32
      %dma_start3A_100 = tpu.memref_slice %arg5[%dma_start3A_99] : memref<1000000xf32, #tpu.memory_space<hbm>> -> memref<1000000xf32, #tpu.memory_space<hbm>>
      tpu.enqueue_indirect_dma source(%dma_start3A_100 : memref<1000000xf32, #tpu.memory_space<hbm>>) target(%dma_start3A_95 : memref<104xf32, #tpu.memory_space<vmem>>) offsets(%dma_start3A_98 : memref<104xi32, #tpu.memory_space<vmem>>) semaphore(%arg12 : memref<!tpu.dma_semaphore, #tpu.memory_space<semaphore_mem>>)
      %dma_wait3A = arith.constant 0 : i32
      %dma_wait3A_101 = arith.constant 0 : i32
      %dma_wait3A_102 = arith.constant 0 : i32
      %dma_wait3A_103 = tpu.memref_slice %arg8[%dma_wait3A_101, %dma_wait3A_102] : memref<208x64xf32, #tpu.memory_space<vmem>> -> memref<104x64xf32, #tpu.memory_space<vmem>>
      %dma_wait3A_104 = arith.constant 0 : i32
      %dma_wait3A_105 = tpu.memref_slice %arg7[%dma_wait3A, %dma_wait3A_104] : memref<2x104xi32, #tpu.memory_space<vmem>> -> memref<1x104xi32, #tpu.memory_space<vmem>>
      %dma_wait3A_106 = tpu.memref_squeeze %dma_wait3A_105 : memref<1x104xi32, #tpu.memory_space<vmem>> -> memref<104xi32, #tpu.memory_space<vmem>>
      %dma_wait3A_107 = arith.constant 0 : i32
      %dma_wait3A_108 = arith.constant 0 : i32
      %dma_wait3A_109 = tpu.memref_slice %arg4[%dma_wait3A_107, %dma_wait3A_108] : memref<1000000x64xf32, #tpu.memory_space<hbm>> -> memref<1000000x64xf32, #tpu.memory_space<hbm>>
      tpu.wait_indirect_dma semaphore(%arg12 : memref<!tpu.dma_semaphore, #tpu.memory_space<semaphore_mem>>) src(%dma_wait3A_109 : memref<1000000x64xf32, #tpu.memory_space<hbm>>) dst(%dma_wait3A_103 : memref<104x64xf32, #tpu.memory_space<vmem>>)
      %dma_wait3A_110 = arith.constant 1 : i32
      %dma_wait3A_111 = arith.constant 104 : i32
      %dma_wait3A_112 = arith.constant 0 : i32
      %dma_wait3A_113 = tpu.memref_slice %arg8[%dma_wait3A_111, %dma_wait3A_112] : memref<208x64xf32, #tpu.memory_space<vmem>> -> memref<104x64xf32, #tpu.memory_space<vmem>>
      %dma_wait3A_114 = arith.constant 0 : i32
      %dma_wait3A_115 = tpu.memref_slice %arg7[%dma_wait3A_110, %dma_wait3A_114] : memref<2x104xi32, #tpu.memory_space<vmem>> -> memref<1x104xi32, #tpu.memory_space<vmem>>
      %dma_wait3A_116 = tpu.memref_squeeze %dma_wait3A_115 : memref<1x104xi32, #tpu.memory_space<vmem>> -> memref<104xi32, #tpu.memory_space<vmem>>
      %dma_wait3A_117 = arith.constant 0 : i32
      %dma_wait3A_118 = arith.constant 0 : i32
      %dma_wait3A_119 = tpu.memref_slice %arg4[%dma_wait3A_117, %dma_wait3A_118] : memref<1000000x64xf32, #tpu.memory_space<hbm>> -> memref<1000000x64xf32, #tpu.memory_space<hbm>>
      tpu.wait_indirect_dma semaphore(%arg12 : memref<!tpu.dma_semaphore, #tpu.memory_space<semaphore_mem>>) src(%dma_wait3A_119 : memref<1000000x64xf32, #tpu.memory_space<hbm>>) dst(%dma_wait3A_113 : memref<104x64xf32, #tpu.memory_space<vmem>>)
      %dma_wait3A_120 = arith.constant 0 : i32
      %dma_wait3A_121 = arith.constant 0 : i32
      %dma_wait3A_122 = tpu.memref_slice %arg9[%dma_wait3A_121] : memref<208xf32, #tpu.memory_space<vmem>> -> memref<104xf32, #tpu.memory_space<vmem>>
      %dma_wait3A_123 = arith.constant 0 : i32
      %dma_wait3A_124 = tpu.memref_slice %arg7[%dma_wait3A_120, %dma_wait3A_123] : memref<2x104xi32, #tpu.memory_space<vmem>> -> memref<1x104xi32, #tpu.memory_space<vmem>>
      %dma_wait3A_125 = tpu.memref_squeeze %dma_wait3A_124 : memref<1x104xi32, #tpu.memory_space<vmem>> -> memref<104xi32, #tpu.memory_space<vmem>>
      %dma_wait3A_126 = arith.constant 0 : i32
      %dma_wait3A_127 = tpu.memref_slice %arg5[%dma_wait3A_126] : memref<1000000xf32, #tpu.memory_space<hbm>> -> memref<1000000xf32, #tpu.memory_space<hbm>>
      tpu.wait_indirect_dma semaphore(%arg12 : memref<!tpu.dma_semaphore, #tpu.memory_space<semaphore_mem>>) src(%dma_wait3A_127 : memref<1000000xf32, #tpu.memory_space<hbm>>) dst(%dma_wait3A_122 : memref<104xf32, #tpu.memory_space<vmem>>)
      %dma_wait3A_128 = arith.constant 1 : i32
      %dma_wait3A_129 = arith.constant 104 : i32
      %dma_wait3A_130 = tpu.memref_slice %arg9[%dma_wait3A_129] : memref<208xf32, #tpu.memory_space<vmem>> -> memref<104xf32, #tpu.memory_space<vmem>>
      %dma_wait3A_131 = arith.constant 0 : i32
      %dma_wait3A_132 = tpu.memref_slice %arg7[%dma_wait3A_128, %dma_wait3A_131] : memref<2x104xi32, #tpu.memory_space<vmem>> -> memref<1x104xi32, #tpu.memory_space<vmem>>
      %dma_wait3A_133 = tpu.memref_squeeze %dma_wait3A_132 : memref<1x104xi32, #tpu.memory_space<vmem>> -> memref<104xi32, #tpu.memory_space<vmem>>
      %dma_wait3A_134 = arith.constant 0 : i32
      %dma_wait3A_135 = tpu.memref_slice %arg5[%dma_wait3A_134] : memref<1000000xf32, #tpu.memory_space<hbm>> -> memref<1000000xf32, #tpu.memory_space<hbm>>
      tpu.wait_indirect_dma semaphore(%arg12 : memref<!tpu.dma_semaphore, #tpu.memory_space<semaphore_mem>>) src(%dma_wait3A_135 : memref<1000000xf32, #tpu.memory_space<hbm>>) dst(%dma_wait3A_130 : memref<104xf32, #tpu.memory_space<vmem>>)
      %get3A_136 = arith.constant 0 : index
      %get3A_137 = tpu.vector_load %arg9[%get3A_136] {strides = array<i32>} : memref<208xf32, #tpu.memory_space<vmem>>, vector<16xf32>,
      %get3A_138 = arith.constant 16 : index
      %get3A_139 = tpu.vector_load %arg9[%get3A_138] {strides = array<i32>} : memref<208xf32, #tpu.memory_space<vmem>>, vector<16xf32>,
      %get3A_140 = arith.constant 32 : index
      %get3A_141 = tpu.vector_load %arg9[%get3A_140] {strides = array<i32>} : memref<208xf32, #tpu.memory_space<vmem>>, vector<16xf32>,
      %get3A_142 = arith.constant 48 : index
      %get3A_143 = tpu.vector_load %arg9[%get3A_142] {strides = array<i32>} : memref<208xf32, #tpu.memory_space<vmem>>, vector<16xf32>,
      %get3A_144 = arith.constant 64 : index
      %get3A_145 = tpu.vector_load %arg9[%get3A_144] {strides = array<i32>} : memref<208xf32, #tpu.memory_space<vmem>>, vector<16xf32>,
      %get3A_146 = arith.constant 80 : index
      %get3A_147 = tpu.vector_load %arg9[%get3A_146] {strides = array<i32>} : memref<208xf32, #tpu.memory_space<vmem>>, vector<16xf32>,
      %get3A_148 = arith.constant 96 : index
      %get3A_149 = tpu.vector_load %arg9[%get3A_148] {strides = array<i32>} : memref<208xf32, #tpu.memory_space<vmem>>, vector<16xf32>,
      %get3A_150 = arith.constant 112 : index
      %get3A_151 = tpu.vector_load %arg9[%get3A_150] {strides = array<i32>} : memref<208xf32, #tpu.memory_space<vmem>>, vector<16xf32>,
      %get3A_152 = arith.constant 128 : index
      %get3A_153 = tpu.vector_load %arg9[%get3A_152] {strides = array<i32>} : memref<208xf32, #tpu.memory_space<vmem>>, vector<16xf32>,
      %get3A_154 = arith.constant 144 : index
      %get3A_155 = tpu.vector_load %arg9[%get3A_154] {strides = array<i32>} : memref<208xf32, #tpu.memory_space<vmem>>, vector<16xf32>,
      %get3A_156 = arith.constant 160 : index
      %get3A_157 = tpu.vector_load %arg9[%get3A_156] {strides = array<i32>} : memref<208xf32, #tpu.memory_space<vmem>>, vector<16xf32>,
      %get3A_158 = arith.constant 176 : index
      %get3A_159 = tpu.vector_load %arg9[%get3A_158] {strides = array<i32>} : memref<208xf32, #tpu.memory_space<vmem>>, vector<16xf32>,
      %get3A_160 = arith.constant 192 : index
      %get3A_161 = tpu.vector_load %arg9[%get3A_160] {strides = array<i32>} : memref<208xf32, #tpu.memory_space<vmem>>, vector<16xf32>,
      %scan3A_162 = arith.constant 0 : i32
      %scan3A_163 = arith.constant 64 : i32
      %scan3A_164 = arith.addi %scan3A_162, %scan3A_163 : i32
      %scan3A_165 = arith.constant 1 : i32
      %scan3A_166:13 = scf.for %scan3A_196 = %scan3A_162 to %scan3A_164 step %scan3A_165 iter_args(%scan3A_197 = %get3A_137, %scan3A_198 = %get3A_139, %scan3A_199 = %get3A_141, %scan3A_200 = %get3A_143, %scan3A_201 = %get3A_145, %scan3A_202 = %get3A_147, %scan3A_203 = %get3A_149, %scan3A_204 = %get3A_151, %scan3A_205 = %get3A_153, %scan3A_206 = %get3A_155, %scan3A_207 = %get3A_157, %scan3A_208 = %get3A_159, %scan3A_209 = %get3A_161) -> (vector<16xf32>, vector<16xf32>, vector<16xf32>, vector<16xf32>, vector<16xf32>, vector<16xf32>, vector<16xf32>, vector<16xf32>, vector<16xf32>, vector<16xf32>, vector<16xf32>, vector<16xf32>, vector<16xf32>)  : i32 {
        %broadcast_in_dim3A_210 = vector.broadcast %scan3A_196 : i32 to vector<16xi32>
        %gather3A = tpu.vector_load_idx %arg10[%broadcast_in_dim3A_210] : memref<64xf32, #tpu.memory_space<vmem>>[vector<16xi32>], vector<16xf32>,
        %gather3A_211 = tpu.vector_load_idx %arg8[%add3A_5, %broadcast_in_dim3A_210] : memref<208x64xf32, #tpu.memory_space<vmem>>[vector<16xi32>, vector<16xi32>], vector<16xf32>,
        %mul3A_212 = arith.mulf %gather3A_211, %gather3A : vector<16xf32>
        %add3A_213 = arith.addf %scan3A_197, %mul3A_212 : vector<16xf32>
        %gather3A_214 = tpu.vector_load_idx %arg8[%add3A_8, %broadcast_in_dim3A_210] : memref<208x64xf32, #tpu.memory_space<vmem>>[vector<16xi32>, vector<16xi32>], vector<16xf32>,
        %mul3A_215 = arith.mulf %gather3A_214, %gather3A : vector<16xf32>
        %add3A_216 = arith.addf %scan3A_198, %mul3A_215 : vector<16xf32>
        %gather3A_217 = tpu.vector_load_idx %arg8[%add3A_11, %broadcast_in_dim3A_210] : memref<208x64xf32, #tpu.memory_space<vmem>>[vector<16xi32>, vector<16xi32>], vector<16xf32>,
        %mul3A_218 = arith.mulf %gather3A_217, %gather3A : vector<16xf32>
        %add3A_219 = arith.addf %scan3A_199, %mul3A_218 : vector<16xf32>
        %gather3A_220 = tpu.vector_load_idx %arg8[%add3A_14, %broadcast_in_dim3A_210] : memref<208x64xf32, #tpu.memory_space<vmem>>[vector<16xi32>, vector<16xi32>], vector<16xf32>,
        %mul3A_221 = arith.mulf %gather3A_220, %gather3A : vector<16xf32>
        %add3A_222 = arith.addf %scan3A_200, %mul3A_221 : vector<16xf32>
        %gather3A_223 = tpu.vector_load_idx %arg8[%add3A_17, %broadcast_in_dim3A_210] : memref<208x64xf32, #tpu.memory_space<vmem>>[vector<16xi32>, vector<16xi32>], vector<16xf32>,
        %mul3A_224 = arith.mulf %gather3A_223, %gather3A : vector<16xf32>
        %add3A_225 = arith.addf %scan3A_201, %mul3A_224 : vector<16xf32>
        %gather3A_226 = tpu.vector_load_idx %arg8[%add3A_20, %broadcast_in_dim3A_210] : memref<208x64xf32, #tpu.memory_space<vmem>>[vector<16xi32>, vector<16xi32>], vector<16xf32>,
        %mul3A_227 = arith.mulf %gather3A_226, %gather3A : vector<16xf32>
        %add3A_228 = arith.addf %scan3A_202, %mul3A_227 : vector<16xf32>
        %gather3A_229 = tpu.vector_load_idx %arg8[%add3A_23, %broadcast_in_dim3A_210] : memref<208x64xf32, #tpu.memory_space<vmem>>[vector<16xi32>, vector<16xi32>], vector<16xf32>,
        %mul3A_230 = arith.mulf %gather3A_229, %gather3A : vector<16xf32>
        %add3A_231 = arith.addf %scan3A_203, %mul3A_230 : vector<16xf32>
        %gather3A_232 = tpu.vector_load_idx %arg8[%add3A_26, %broadcast_in_dim3A_210] : memref<208x64xf32, #tpu.memory_space<vmem>>[vector<16xi32>, vector<16xi32>], vector<16xf32>,
        %mul3A_233 = arith.mulf %gather3A_232, %gather3A : vector<16xf32>
        %add3A_234 = arith.addf %scan3A_204, %mul3A_233 : vector<16xf32>
        %gather3A_235 = tpu.vector_load_idx %arg8[%add3A_29, %broadcast_in_dim3A_210] : memref<208x64xf32, #tpu.memory_space<vmem>>[vector<16xi32>, vector<16xi32>], vector<16xf32>,
        %mul3A_236 = arith.mulf %gather3A_235, %gather3A : vector<16xf32>
        %add3A_237 = arith.addf %scan3A_205, %mul3A_236 : vector<16xf32>
        %gather3A_238 = tpu.vector_load_idx %arg8[%add3A_32, %broadcast_in_dim3A_210] : memref<208x64xf32, #tpu.memory_space<vmem>>[vector<16xi32>, vector<16xi32>], vector<16xf32>,
        %mul3A_239 = arith.mulf %gather3A_238, %gather3A : vector<16xf32>
        %add3A_240 = arith.addf %scan3A_206, %mul3A_239 : vector<16xf32>
        %gather3A_241 = tpu.vector_load_idx %arg8[%add3A_35, %broadcast_in_dim3A_210] : memref<208x64xf32, #tpu.memory_space<vmem>>[vector<16xi32>, vector<16xi32>], vector<16xf32>,
        %mul3A_242 = arith.mulf %gather3A_241, %gather3A : vector<16xf32>
        %add3A_243 = arith.addf %scan3A_207, %mul3A_242 : vector<16xf32>
        %gather3A_244 = tpu.vector_load_idx %arg8[%add3A_38, %broadcast_in_dim3A_210] : memref<208x64xf32, #tpu.memory_space<vmem>>[vector<16xi32>, vector<16xi32>], vector<16xf32>,
        %mul3A_245 = arith.mulf %gather3A_244, %gather3A : vector<16xf32>
        %add3A_246 = arith.addf %scan3A_208, %mul3A_245 : vector<16xf32>
        %gather3A_247 = tpu.vector_load_idx %arg8[%add3A_41, %broadcast_in_dim3A_210] : memref<208x64xf32, #tpu.memory_space<vmem>>[vector<16xi32>, vector<16xi32>], vector<16xf32>,
        %mul3A_248 = arith.mulf %gather3A_247, %gather3A : vector<16xf32>
        %add3A_249 = arith.addf %scan3A_209, %mul3A_248 : vector<16xf32>
        scf.yield %add3A_213, %add3A_216, %add3A_219, %add3A_222, %add3A_225, %add3A_228, %add3A_231, %add3A_234, %add3A_237, %add3A_240, %add3A_243, %add3A_246, %add3A_249 : vector<16xf32>, vector<16xf32>, vector<16xf32>, vector<16xf32>, vector<16xf32>, vector<16xf32>, vector<16xf32>, vector<16xf32>, vector<16xf32>, vector<16xf32>, vector<16xf32>, vector<16xf32>, vector<16xf32>
      }
      %scan3A_167 = arith.constant 64 : i32
      %swap3A_168 = arith.constant 0 : index
      %swap3A_169 = tpu.vector_load %arg11[%swap3A_168] {strides = array<i32>} : memref<208xf32, #tpu.memory_space<vmem>>, vector<16xf32>,
      tpu.vector_store %arg11[%swap3A_168], %scan3A_166#0 {strides = array<i32>} : memref<208xf32, #tpu.memory_space<vmem>>, vector<16xf32>,
      %swap3A_170 = arith.constant 16 : index
      %swap3A_171 = tpu.vector_load %arg11[%swap3A_170] {strides = array<i32>} : memref<208xf32, #tpu.memory_space<vmem>>, vector<16xf32>,
      tpu.vector_store %arg11[%swap3A_170], %scan3A_166#1 {strides = array<i32>} : memref<208xf32, #tpu.memory_space<vmem>>, vector<16xf32>,
      %swap3A_172 = arith.constant 32 : index
      %swap3A_173 = tpu.vector_load %arg11[%swap3A_172] {strides = array<i32>} : memref<208xf32, #tpu.memory_space<vmem>>, vector<16xf32>,
      tpu.vector_store %arg11[%swap3A_172], %scan3A_166#2 {strides = array<i32>} : memref<208xf32, #tpu.memory_space<vmem>>, vector<16xf32>,
      %swap3A_174 = arith.constant 48 : index
      %swap3A_175 = tpu.vector_load %arg11[%swap3A_174] {strides = array<i32>} : memref<208xf32, #tpu.memory_space<vmem>>, vector<16xf32>,
      tpu.vector_store %arg11[%swap3A_174], %scan3A_166#3 {strides = array<i32>} : memref<208xf32, #tpu.memory_space<vmem>>, vector<16xf32>,
      %swap3A_176 = arith.constant 64 : index
      %swap3A_177 = tpu.vector_load %arg11[%swap3A_176] {strides = array<i32>} : memref<208xf32, #tpu.memory_space<vmem>>, vector<16xf32>,
      tpu.vector_store %arg11[%swap3A_176], %scan3A_166#4 {strides = array<i32>} : memref<208xf32, #tpu.memory_space<vmem>>, vector<16xf32>,
      %swap3A_178 = arith.constant 80 : index
      %swap3A_179 = tpu.vector_load %arg11[%swap3A_178] {strides = array<i32>} : memref<208xf32, #tpu.memory_space<vmem>>, vector<16xf32>,
      tpu.vector_store %arg11[%swap3A_178], %scan3A_166#5 {strides = array<i32>} : memref<208xf32, #tpu.memory_space<vmem>>, vector<16xf32>,
      %swap3A_180 = arith.constant 96 : index
      %swap3A_181 = tpu.vector_load %arg11[%swap3A_180] {strides = array<i32>} : memref<208xf32, #tpu.memory_space<vmem>>, vector<16xf32>,
      tpu.vector_store %arg11[%swap3A_180], %scan3A_166#6 {strides = array<i32>} : memref<208xf32, #tpu.memory_space<vmem>>, vector<16xf32>,
      %swap3A_182 = arith.constant 112 : index
      %swap3A_183 = tpu.vector_load %arg11[%swap3A_182] {strides = array<i32>} : memref<208xf32, #tpu.memory_space<vmem>>, vector<16xf32>,
      tpu.vector_store %arg11[%swap3A_182], %scan3A_166#7 {strides = array<i32>} : memref<208xf32, #tpu.memory_space<vmem>>, vector<16xf32>,
      %swap3A_184 = arith.constant 128 : index
      %swap3A_185 = tpu.vector_load %arg11[%swap3A_184] {strides = array<i32>} : memref<208xf32, #tpu.memory_space<vmem>>, vector<16xf32>,
      tpu.vector_store %arg11[%swap3A_184], %scan3A_166#8 {strides = array<i32>} : memref<208xf32, #tpu.memory_space<vmem>>, vector<16xf32>,
      %swap3A_186 = arith.constant 144 : index
      %swap3A_187 = tpu.vector_load %arg11[%swap3A_186] {strides = array<i32>} : memref<208xf32, #tpu.memory_space<vmem>>, vector<16xf32>,
      tpu.vector_store %arg11[%swap3A_186], %scan3A_166#9 {strides = array<i32>} : memref<208xf32, #tpu.memory_space<vmem>>, vector<16xf32>,
      %swap3A_188 = arith.constant 160 : index
      %swap3A_189 = tpu.vector_load %arg11[%swap3A_188] {strides = array<i32>} : memref<208xf32, #tpu.memory_space<vmem>>, vector<16xf32>,
      tpu.vector_store %arg11[%swap3A_188], %scan3A_166#10 {strides = array<i32>} : memref<208xf32, #tpu.memory_space<vmem>>, vector<16xf32>,
      %swap3A_190 = arith.constant 176 : index
      %swap3A_191 = tpu.vector_load %arg11[%swap3A_190] {strides = array<i32>} : memref<208xf32, #tpu.memory_space<vmem>>, vector<16xf32>,
      tpu.vector_store %arg11[%swap3A_190], %scan3A_166#11 {strides = array<i32>} : memref<208xf32, #tpu.memory_space<vmem>>, vector<16xf32>,
      %swap3A_192 = arith.constant 192 : index
      %swap3A_193 = tpu.vector_load %arg11[%swap3A_192] {strides = array<i32>} : memref<208xf32, #tpu.memory_space<vmem>>, vector<16xf32>,
      tpu.vector_store %arg11[%swap3A_192], %scan3A_166#12 {strides = array<i32>} : memref<208xf32, #tpu.memory_space<vmem>>, vector<16xf32>,
      %mul3A_194 = arith.constant 200 : i32
      %mul3A_195 = arith.muli %add3A_48, %mul3A_194 : i32
      "tpu.region"() ({
        %run_scoped3A_196 = tpu.sem_alloc : memref<!tpu.dma_semaphore, #tpu.memory_space<semaphore_mem>>
        %dma_start3A_197 = arith.constant 0 : i32
        %dma_start3A_198 = tpu.memref_slice %arg11[%dma_start3A_197] : memref<208xf32, #tpu.memory_space<vmem>> -> memref<200xf32, #tpu.memory_space<vmem>>
        %dma_start3A_199 = tpu.memref_slice %arg6[%mul3A_195] : memref<819200xf32, #tpu.memory_space<hbm>> -> memref<200xf32, #tpu.memory_space<hbm>>
        %dma_start3A_200 = tpu.memref_slice %arg6[%mul3A_195] : memref<819200xf32, #tpu.memory_space<hbm>> -> memref<200xf32, #tpu.memory_space<hbm>>
        %dma_start3A_201 = arith.constant 0 : i32
        %dma_start3A_202 = tpu.memref_slice %arg11[%dma_start3A_201] : memref<208xf32, #tpu.memory_space<vmem>> -> memref<200xf32, #tpu.memory_space<vmem>>
        tpu.enqueue_dma source(%dma_start3A_202 : memref<200xf32, #tpu.memory_space<vmem>>) target(%dma_start3A_200 : memref<200xf32, #tpu.memory_space<hbm>>) target_semaphore(%run_scoped3A_196 : memref<!tpu.dma_semaphore, #tpu.memory_space<semaphore_mem>>)
        %dma_wait3A_203 = arith.constant 0 : i32
        %dma_wait3A_204 = tpu.memref_slice %arg11[%dma_wait3A_203] : memref<208xf32, #tpu.memory_space<vmem>> -> memref<200xf32, #tpu.memory_space<vmem>>
        %dma_wait3A_205 = tpu.memref_slice %arg6[%mul3A_195] : memref<819200xf32, #tpu.memory_space<hbm>> -> memref<200xf32, #tpu.memory_space<hbm>>
        %dma_wait3A_206 = tpu.memref_slice %arg6[%mul3A_195] : memref<819200xf32, #tpu.memory_space<hbm>> -> memref<200xf32, #tpu.memory_space<hbm>>
        %dma_wait3A_207 = arith.constant 0 : i32
        %dma_wait3A_208 = tpu.memref_slice %arg11[%dma_wait3A_207] : memref<208xf32, #tpu.memory_space<vmem>> -> memref<200xf32, #tpu.memory_space<vmem>>
        tpu.wait_dma2 semaphore(%run_scoped3A_196 : memref<!tpu.dma_semaphore, #tpu.memory_space<semaphore_mem>>) src(%dma_wait3A_208 : memref<200xf32, #tpu.memory_space<vmem>>) dst(%dma_wait3A_206 : memref<200xf32, #tpu.memory_space<hbm>>)
        tpu.yield
      }) : () -> ()
    }
    %scan3A_46 = arith.constant 128 : i32
    return
  }
}

</mosaic_0001>

<sc_bundles>
// kernel: kernel.3.cloned.1.call-start
scs
__scs_entry_jumppad:
0x0: {  	(pc) =	sbr.rel $0x88, $3  }
0x1: {  	(tag) =	ssettag $0x0;
	lr =	simm.s32 $0x1  }
0x2: {  	[smem:$0x3F9D] =	sst lr;
	_ =	strace $0xD0000000  }
0x3: {  	_ = 	snop  }
0x4: {  	_ = 	snop  }
0x5: {  	_ = 	snop  }
0x6: {  	_ = 	snop  }
0x7: {  	_ = 	snop  }
__scs_overlays_trampoline_lowered:
0x8: {  	[smem:$0x3FAC] =	sst s0  }
0x9: {  	[smem:$0x3FAD] =	sst s1  }
0xa: {  	[smem:$0x3FAE] =	sst s2  }
0xb: {  	[smem:$0x3FAF] =	sst s3  }
0xc: {  	[smem:$0x3FB0] =	sst s4  }
0xd: {  	[smem:$0x3FB1] =	sst s5  }
0xe: {  	[smem:$0x3FB2] =	sst s6  }
0xf: {  	[smem:$0x3FB3] =	sst s7  }
0x10: {  	[smem:$0x3FB4] =	sst s8  }
0x11: {  	[smem:$0x3FB5] =	sst s9;
	s0 =	simm.s32 @!p0 $0x0  }
0x12: {  	s1 =	sld [smem:$0x3F9B];
	s0 =	simm.s32 @p0 $0x1  }
0x13: {  	[smem:$0x3FB6] =	sst s0;
	s0 =	simm.s32 @!p1 $0x0  }
0x14: {  	s2 =	sld [smem:$0x3F9A];
	s0 =	simm.s32 @p1 $0x1  }
0x15: {  	[smem:$0x3FB7] =	sst s0;
	s0 =	simm.s32 @!p2 $0x0  }
0x16: {  	s3 =	sld [smem:$0x3FDB];
	s0 =	simm.s32 @p2 $0x1  }
0x17: {  	s4 =	simm.s32 $0x1BF5;
	[smem:$0x3FB9] =	sst s0  }
0x18: {  	s0 =	sld [smem:$0x3F9C];
	_ =	swait.ge [sflag:s4], $0x0  }
0x19: {  	s7 =	sld [smem:$0x3F9D]  }
0x1a: {  	s8 =	sadd.s32 $0xFFFFE003, lr  }
0x1b: {  	s9 =	sadd.s32 $0xFFFFFEF7, lr;
	s5 =	simm.s32 $0xFFFFFFFF;
	p2 =	slt.u32 s8, $0xFFFFF086  }
0x1c: {  	p1 =	slt.u32 s9, $0xF7A;
	s5 =	simm.s32 @!p2 $0x0  }
0x1d: {  	s5 =	simm.s32 @p1 $0x1;
	p0 =	seq.s32 s7, s2  }
0x1e: {  	s7 =	smul.u32 @!p0 $0xF7A, s2;
	p2 =	seq.s32 @!p0 s5, $0x0  }
0x1f: {  	s9 =	smul.u32 $0xF7A, s1;
	s8 =	simm.s32 @!p0 $0x1BF5;
	p2 =	por !p2, p0  }
0x20: {  	[sflag:s8] =	ssyncset.s32 @!p0 $0xFFFFF086;
	s6 =	sadd.s32 @!p0 s3, s7;
	s7 =	simm.s32 @!p0 $0x108  }
0x21: {  	s3 =	sadd.s32 s3, s9;
	s6 =	sadd.s32 @!p0 $0x88, s6;
	s7 =	simm.s32 @p2 $0x1082  }
0x22: {  	[simem:s7], [sflag:s8] =	dma.local @!p0 [hbm:s6], $0xF7A  }
0x23: {  	s9 =	sor.u32 $0xD0000000, s2;
	s6 =	simm.s32 $0x108;
	_ =	swait.ge @!p0 [sflag:s8], $0x0  }
0x24: {  	s3 =	sadd.s32 $0x88, s3;
	s6 =	simm.s32 @!p1 $0x1082;
	[sflag:s4] =	ssyncset.s32 $0xFFFFF086  }
0x25: {  	[simem:s6], [sflag:s4] =	dma.local [hbm:s3], $0xF7A  }
0x26: {  	[smem:$0x3F9D] =	sst s1;
	(tag) =	ssettag s2;
	_ =	strace s9  }
0x27: {  	s1 =	sld [smem:$0x3FAD]  }
0x28: {  	s2 =	sld [smem:$0x3FAE]  }
0x29: {  	s4 =	sld [smem:$0x3FB0]  }
0x2a: {  	p0 =	seq.s32 s5, $0x0;
	s5 =	sld [smem:$0x3FB1]  }
0x2b: {  	s6 =	sld [smem:$0x3FB2]  }
0x2c: {  	s7 =	sld [smem:$0x3FB3]  }
0x2d: {  	s3 =	simm.s32 $0x108;
	s8 =	sld [smem:$0x3FB4]  }
0x2e: {  	s3 =	simm.s32 @!p0 $0x1082;
	s9 =	sld [smem:$0x3FB5]  }
0x2f: {  	lr =	sadd.s32 s0, s3;
	s0 =	sld [smem:$0x3FAC]  }
0x30: {  	s3 =	sld [smem:$0x3FAF]  }
0x31: {  	[smem:$0x3FB8] =	sst s10  }
0x32: {  	s10 =	sld [smem:$0x3FB6];
	_ =	sdelay $0x3  }
0x33: {  	p0 =	seq.s32 s10, $0x1;
	s10 =	sld [smem:$0x3FB8];
	_ =	sdelay $0x3  }
0x34: {  	[smem:$0x3FB8] =	sst s10  }
0x35: {  	s10 =	sld [smem:$0x3FB7];
	_ =	sdelay $0x3  }
0x36: {  	p1 =	seq.s32 s10, $0x1;
	s10 =	sld [smem:$0x3FB8];
	_ =	sdelay $0x3  }
0x37: {  	[smem:$0x3FB8] =	sst s10  }
0x38: {  	s10 =	sld [smem:$0x3FB9]  }
0x39: {  	_ = 	snop;
	(pc) =	sbr.ind lr, $3  }
0x3a: {  	_ = 	snop  }
0x3b: {  	_ = 	snop  }
0x3c: {  	p2 =	seq.s32 s10, $0x1;
	s10 =	sld [smem:$0x3FB8]  }
0x3d: {  	_ =	shalt  }
0x3e: {  	_ =	shalt  }
0x3f: {  	_ =	shalt  }
0x40: {  	_ =	shalt  }
0x41: {  	_ =	shalt  }
0x42: {  	_ =	shalt  }
0x43: {  	_ =	shalt  }
0x44: {  	_ =	shalt  }
0x45: {  	_ =	shalt  }
0x46: {  	_ =	shalt  }
0x47: {  	_ =	shalt  }
0x48: {  	_ =	shalt  }
0x49: {  	_ =	shalt  }
0x4a: {  	_ =	shalt  }
0x4b: {  	_ =	shalt  }
0x4c: {  	_ =	shalt  }
0x4d: {  	_ =	shalt  }
0x4e: {  	_ =	shalt  }
0x4f: {  	_ =	shalt  }
0x50: {  	_ =	shalt  }
0x51: {  	_ =	shalt  }
0x52: {  	_ =	shalt  }
0x53: {  	_ =	shalt  }
0x54: {  	_ =	shalt  }
0x55: {  	_ =	shalt  }
0x56: {  	_ =	shalt  }
0x57: {  	_ =	shalt  }
0x58: {  	_ =	shalt  }
0x59: {  	_ =	shalt  }
0x5a: {  	_ =	shalt  }
0x5b: {  	_ =	shalt  }
0x5c: {  	_ =	shalt  }
0x5d: {  	_ =	shalt  }
0x5e: {  	_ =	shalt  }
0x5f: {  	_ =	shalt  }
0x60: {  	_ =	shalt  }
0x61: {  	_ =	shalt  }
0x62: {  	_ =	shalt  }
0x63: {  	_ =	shalt  }
0x64: {  	_ =	shalt  }
0x65: {  	_ =	shalt  }
0x66: {  	_ =	shalt  }
0x67: {  	_ =	shalt  }
0x68: {  	_ =	shalt  }
0x69: {  	_ =	shalt  }
0x6a: {  	_ =	shalt  }
0x6b: {  	_ =	shalt  }
0x6c: {  	_ =	shalt  }
0x6d: {  	_ =	shalt  }
0x6e: {  	_ =	shalt  }
0x6f: {  	_ =	shalt  }
0x70: {  	_ =	shalt  }
0x71: {  	_ =	shalt  }
0x72: {  	_ =	shalt  }
0x73: {  	_ =	shalt  }
0x74: {  	_ =	shalt  }
0x75: {  	_ =	shalt  }
0x76: {  	_ =	shalt  }
0x77: {  	_ =	shalt  }
0x78: {  	_ =	shalt  }
0x79: {  	_ =	shalt  }
0x7a: {  	_ =	shalt  }
0x7b: {  	_ =	shalt  }
0x7c: {  	_ =	shalt  }
0x7d: {  	_ =	shalt  }
0x7e: {  	_ =	shalt  }
0x7f: {  	_ =	shalt  }
0x80: {  	_ =	shalt  }
0x81: {  	_ =	shalt  }
0x82: {  	_ =	shalt  }
0x83: {  	_ =	shalt  }
0x84: {  	_ =	shalt  }
0x85: {  	_ =	shalt  }
0x86: {  	_ =	shalt  }
0x87: {  	_ =	shalt  }
.Lfunc_end0:
.L_simem_size_0:
called_computation_lowered:
.L_overlay_start_0:
0x88: {  	s2 =	sld [smem:$0x3FD9]  }
0x89: {  	s3 =	sld [smem:$0x3FFE];
	_ =	sdelay $0x1  }
0x8a: {  	s1 =	srdreg.scid  }
0x8b: {  	s0 =	sand.u32 $0x1, s1  }
0x8c: {  	s17 =	sshll.u32 s0, $0xA;
	s2 =	sadd.s32 s3, s2  }
0x8d: {  	s2 =	sadd.s32 s2, s17  }
0x8e: {  	[smem:$0x3FC4] =	sst s2  }
0x8f: {  	_ = 	snop  }
0x90: {  	s2 =	sld [smem:$0x3FD0];
	(tm) =	ssettm $0x1  }
0x91: {  	s18 =	sld [smem:$0x3FFB];
	_ =	sdelay $0x3  }
0x92: {  	_ =	strace s18  }
0x93: {  	s3 =	sld [smem:$0x3FFC];
	_ =	sdelay $0x3  }
0x94: {  	_ =	strace s3  }
0x95: {  	s3 =	sld [smem:$0x3FFD];
	_ =	sdelay $0x3  }
0x96: {  	_ =	strace s3  }
0x97: {  	_ =	strace $0x8FFFFFFF  }
0x98: {  	s19 =	sld [smem:$0x3FDB];
	_ =	sdelay $0x1  }
0x99: {  	s4 =	simm.s32 $_scs_section_size  }
0x9a: {  	s5 =	simm.s32 $_size__tile_overlayer_lowered;
	s6 =	simm.s32 $_tile_overlayer_lowered  }
0x9b: {  	s22 =	simm.s32 $0x1BFF;
	s21 =	sshll.u32 s6, $0x1;
	s3 =	sadd.s32 s4, s19  }
0x9c: {  	s7 =	simm.s32 $0x0;
	s20 =	sshll.u32 s5, $0x1;
	s5 =	sadd.s32 s21, s3  }
0x9d: {  	[timem:s7], [sflag:s22] =	dma.local [hbm:s5], s20  }
0x9e: {  	_ =	swait.ge [sflag:s22], s20  }
0x9f: {  	s4 =	ssub.s32 $0x0, s20;
	[sflag:s22] =	ssyncset.done $0x0  }
0xa0: {  	[sflag:s22] =	ssyncadd.s32 s4;
	_ =	sdelay $0x1  }
0xa1: {  	s23 =	simm.s32 $0x1B8B  }
0xa2: {  	_ =	swait.ge [sflag:s23], $0x1  }
0xa3: {  	[sflag:s23] =	ssyncset.done $0x0  }
0xa4: {  	s25 =	simm.s32 $0x1B8E;
	s24 =	sld [smem:$0x3FFE];
	[sflag:s23] =	ssyncadd.s32 $0xFFFFFFFF  }
0xa5: {  	s26 =	simm.s32 $execute0_lowered;
	[smem:$0x3FD2] =	sst s25  }
0xa6: {  	s5 =	sshll.u32 s26, $0x1;
	_ =	strace $0x80000046;
	[dreg:$0x1] =	wrdreg $0xFFFFFFFF  }
0xa7: {  	s28 =	simm.s32 $_size_execute0_lowered;
	s3 =	sadd.s32 s3, s5;
	[dreg:$0x0] =	wrdreg $0x0  }
0xa8: {  	s5 =	sshll.u32 s28, $0x1;
	[dreg:$0x2] =	wrdreg s3  }
0xa9: {  	[dreg:$0x3] =	wrdreg s5  }
0xaa: {  	[dreg:$0x4] =	wrdreg $0xC0  }
0xab: {  	_ =	task [dreg:s7], $0x5FFFF  }
0xac: {  	[dreg:$0x1] =	wrdreg $0xFFFFFFFF  }
0xad: {  	[dreg:$0x0] =	wrdreg $0x60  }
0xae: {  	[dreg:$0x2] =	wrdreg s24  }
0xaf: {  	[dreg:$0x3] =	wrdreg s2  }
0xb0: {  	[dreg:$0x4] =	wrdreg $0x9  }
0xb1: {  	_ =	task.clear_ibuf [dreg:s7], $0x5FFFF;
	_ =	strace $0x90000046  }
0xb2: {  	s29 =	simm.s32 $0x9;
	_ =	strace $0x80000048  }
0xb3: {  	_ =	swait.ge [sflag:s29], $0x1  }
0xb4: {  	[sflag:s29] =	ssyncadd.s32 $0xFFFFFFFF  }
0xb5: {  	_ =	strace $0x90000048  }
0xb6: {  	_ =	sfence  }
0xb7: {  	s30 =	sld [smem:$0x0];
	_ =	sdelay $0x2  }
0xb8: {  	s31 =	sshll.u32 s1, $0xD;
	s1 =	sshrl.u32 s1, $0x2  }
0xb9: {  	s3 =	sand.u32 $0x4000, s31;
	s1 =	sadd.s32 s1, s30  }
0xba: {  	s0 =	sor.u32 s3, s0;
	s1 =	sshll.u32 s1, $0x11  }
0xbb: {  	s0 =	sor.u32 s1, s0  }
0xbc: {  	s0 =	sadd.s32 $0x8F2B, s0  }
0xbd: {  	[sflag:s0] =	ssyncadd.remote.s32 $0x1  }
0xbe: {  	_ =	sfence.sel $0xFFFF  }
0xbf: {  	[dreg:$0x0] =	wrdreg $0xFFFFFFFF;
	(pc) =	sbr.abs _section_cstart, $3  }
0xc0: {  	[dreg:$0x1] =	wrdreg $0xFFFFFFFF  }
0xc1: {  	_ =	task.clear_ibuf [dreg:s7], $0x2FFFF;
	_ =	strace $0x9FFFFFFF  }
0xc2: {  	(tm) =	ssettm $0x7FFFFFFF  }
0xc3: {  	_ =	shalt  }
tec
execute0_lowered:
.L_overlay_start_1:
0x0: {  	(tag) =	ssettag $0x1  }
0x1: {  	s5 =	rddreg [dreg:$0x0]  }
0x2: {  	s1 =	rddreg [dreg:$0x1]  }
0x3: {  	s0 =	rddreg [dreg:$0x2];
	s2 =	simm.s32 $0x0  }
0x4: {  	s4 =	srdreg.scid;
	s11 =	simm.s32 $0x68;
	s12 =	simm.s32 $0x35A0  }
0x5: {  	s13 =	simm.s32 $0xD0;
	s14 =	simm.s32 $0x1AD0;
	s15 =	simm.s32 $0x34D0  }
0x6: {  	v0 =	vlaneseq.u32;
	s16 =	simm.s32 $0x3538;
	s17 =	simm.s32 $0x1;
	s18 =	simm.s32 $0x35E0  }
0x7: {  	s19 =	simm.s32 $0x0;
	s25 =	simm.s32 $0x0;
	[smem:$0x7FF] =	sst s2;
	v0 =	vmul.u32 $0x40, v0  }
0x8: {  	vm0 =	vmmov $0xff;
	s3 =	sadd.s32 $0x600, s5;
	s8 =	sand.u32 $0x1, s4;
	s4 =	sadd.s32 $0xF42A00, s5  }
0x9: {  	s6 =	sadd.s32 $0x8600, s5;
	s7 =	sadd.s32 $0x27000, s5;
	s9 =	ssub.s32 $0x2, s8;
	v1 =	vor.u32 $0x400, v0;
	v2 =	vor.u32 $0x800, v0;
	v3 =	vor.u32 $0xC00, v0  }
0xa: {  	s5 =	stileid.u32;
	_ =	strace $0x80000047;
	s10 =	sshrl.u32 s9, $0x1;
	v4 =	vor.u32 $0x1000, v0;
	v5 =	vor.u32 $0x1400, v0;
	v6 =	vor.u32 $0x1800, v0  }
0xb: {  	s31 =	sshll.u32 s5, $0x8;
	s8 =	sshll.u32 s8, $0x7;
	v7 =	vor.u32 $0x1C00, v0;
	v8 =	vor.u32 $0x2000, v0;
	v9 =	vor.u32 $0x2400, v0;
	s9 =	ssub.s32 s9, s10  }
0xc: {  	s8 =	sor.u32 s8, s31;
	v10 =	vor.u32 $0x2800, v0;
	v11 =	vor.u32 $0x2C00, v0;
	v12 =	vor.u32 $0x3000, v0;
	s10 =	simm.s32 $0x2;
	s9 =	smax.u32 s9, $0x1  }
.LBB2_1:
0xd: {  	s20 =	simm.s32 $0x0  }
.LBB2_2:
0xe: {  	s22 =	sadd.s32 s8, s20  }
0xf: {  	s23 =	smul.u32 $0xC8, s22;
	_ =	sdelay $0x1  }
0x10: {  	s21 =	sshrl.u32 s23, $0x3  }
0x11: {  	s24 =	sadd.s32 s1, s21  }
0x12: {  	[tilespmem:s25], [sflag:$0x2] =	stream.linear.gather [hbm4b:s24+s25], $0x68, $0x38;
	[tilespmem:$0x36B0] =	vst v63  }
0x13: {  	s23 =	sadd.s32 $0x68, s23;
	_ =	swait.ge [sflag:s10], $0x68  }
0x14: {  	s23 =	sshrl.u32 s23, $0x3;
	[sflag:s10] =	ssyncset.done $0x0  }
0x15: {  	s23 =	sadd.s32 s1, s23;
	[sflag:s10] =	ssyncadd.s32 $0xFFFFFF98  }
0x16: {  	[tilespmem:s11], [sflag:$0x2] =	stream.linear.gather [hbm4b:s23+s25], $0x60, $0x38;
	[tilespmem:$0x36B0] =	vst v63  }
0x17: {  	_ =	swait.ge [sflag:s10], $0x60  }
0x18: {  	[sflag:s10] =	ssyncset.done $0x0  }
0x19: {  	[sflag:s10] =	ssyncadd.s32 $0xFFFFFFA0  }
0x1a: {  	v13 =	vld [tilespmem:$0xC0];
	_ =	sdelay $0x4  }
0x1b: {  	s22 =	sshll.u32 s22, $0x3;
	v13 =	vnsel vm0, $0x0, v13  }
0x1c: {  	s22 =	sadd.s32 s3, s22;
	[tilespmem:$0xC0] =	vst v13  }
0x1d: {  	[tilespmem:s12], [sflag:$0x2] =	stream.linear.gather [hbm4b:s22+s25], $0x40, $0x38;
	[tilespmem:$0x36B0] =	vst v63  }
0x1e: {  	_ =	swait.ge [sflag:s10], $0x40  }
0x1f: {  	[sflag:s10] =	ssyncset.done $0x0  }
0x20: {  	[sflag:s10] =	ssyncadd.s32 $0xFFFFFFC0  }
0x21: {  	[tilespmem:s13], [sflag:$0x1] =	stream.indirect.gather [hbm4b:s4+s11], $0x40, s25, s11, $0xb8;
	[tilespmem:$0x36B0] =	vst v63  }
0x22: {  	_ = 	snop  }
0x23: {  	[tilespmem:s14], [sflag:$0x1] =	stream.indirect.gather [hbm4b:s4+s11], $0x40, s11, s11, $0xb8;
	[tilespmem:$0x36B0] =	vst v63  }
0x24: {  	_ = 	snop  }
0x25: {  	[tilespmem:s15], [sflag:$0x1] =	stream.indirect.gather [hbm4b:s6+s11], $0x1, s25, s11, $0xb8;
	[tilespmem:$0x36B0] =	vst v63  }
0x26: {  	_ = 	snop  }
0x27: {  	[tilespmem:s16], [sflag:$0x1] =	stream.indirect.gather [hbm4b:s6+s11], $0x1, s11, s11, $0xb8;
	[tilespmem:$0x36B0] =	vst v63  }
0x28: {  	_ =	swait.ge [sflag:s17], $0x1A00  }
0x29: {  	[sflag:s17] =	ssyncset.done $0x0  }
0x2a: {  	[sflag:s17] =	ssyncadd.s32 $0xFFFFE600  }
0x2b: {  	_ =	swait.ge [sflag:s17], $0x1A00  }
0x2c: {  	[sflag:s17] =	ssyncset.done $0x0  }
0x2d: {  	[sflag:s17] =	ssyncadd.s32 $0xFFFFE600  }
0x2e: {  	_ =	swait.ge [sflag:s17], $0x68  }
0x2f: {  	[sflag:s17] =	ssyncset.done $0x0  }
0x30: {  	[sflag:s17] =	ssyncadd.s32 $0xFFFFFF98  }
0x31: {  	_ =	swait.ge [sflag:s17], $0x68  }
0x32: {  	[sflag:s17] =	ssyncset.done $0x0  }
0x33: {  	[sflag:s17] =	ssyncadd.s32 $0xFFFFFF98  }
0x34: {  	v26 =	vld [tilespmem:$0x34D0]  }
0x35: {  	v25 =	vld [tilespmem:$0x34E0]  }
0x36: {  	v24 =	vld [tilespmem:$0x34F0]  }
0x37: {  	v22 =	vld [tilespmem:$0x3500]  }
0x38: {  	v21 =	vld [tilespmem:$0x3510]  }
0x39: {  	v20 =	vld [tilespmem:$0x3520]  }
0x3a: {  	v19 =	vld [tilespmem:$0x3530]  }
0x3b: {  	v23 =	vmov s25;
	v18 =	vld [tilespmem:$0x3540]  }
0x3c: {  	v27 =	vand.u32 $0x3F, v23;
	v17 =	vld [tilespmem:$0x3550]  }
0x3d: {  	v28 =	vor.u32 v12, v27;
	v16 =	vld [tilespmem:$0x3560]  }
0x3e: {  	v29 =	vor.u32 v0, v27;
	v15 =	vld [tilespmem:$0x3570]  }
0x3f: {  	v30 =	vor.u32 v1, v27;
	v14 =	vld [tilespmem:$0x3580]  }
0x40: {  	v31 =	vor.u32 v2, v27;
	v13 =	vld [tilespmem:$0x3590]  }
0x41: {  	v32 =	vor.u32 v3, v27;
	v23 =	vld.idx.msk [tilespmem:v23+s12+$0x0], $0xffff  }
0x42: {  	v33 =	vor.u32 v4, v27;
	v35 =	vld.idx.msk [tilespmem:v28+s13+$0x0], $0xffff  }
0x43: {  	v39 =	vor.u32 v5, v27;
	v41 =	vld.idx.msk [tilespmem:v29+s13+$0x0], $0xffff  }
0x44: {  	v42 =	vor.u32 v6, v27;
	v37 =	vld.idx.msk [tilespmem:v30+s13+$0x0], $0xffff  }
0x45: {  	v38 =	vor.u32 v7, v27;
	v28 =	vld.idx.msk [tilespmem:v31+s13+$0x0], $0xffff  }
0x46: {  	v36 =	vor.u32 v8, v27;
	v29 =	vld.idx.msk [tilespmem:v32+s13+$0x0], $0xffff  }
0x47: {  	v34 =	vor.u32 v9, v27;
	v30 =	vld.idx.msk [tilespmem:v33+s13+$0x0], $0xffff  }
0x48: {  	s31 =	simm.s32 $0x1;
	v32 =	vor.u32 v10, v27;
	v31 =	vor.u32 v11, v27;
	v33 =	vld.idx.msk [tilespmem:v39+s13+$0x0], $0xffff;
	v27 =	vmul.f32 v35, v23  }
0x49: {  	v40 =	vmov s31;
	s22 =	simm.s32 $0x2;
	v39 =	vmul.f32 v41, v23;
	v35 =	vld.idx.msk [tilespmem:v42+s13+$0x0], $0xffff  }
.LBB2_3:
0x4a: {  	p0 =	sne.s32 s22, $0x3F;
	v41 =	vand.u32 $0x3F, v40;
	v37 =	vmul.f32 v37, v23;
	v42 =	vld.idx.msk [tilespmem:v38+s13+$0x0], $0xffff;
	v13 =	vadd.f32 v27, v13  }
0x4b: {  	v27 =	vor.u32 v0, v41;
	v43 =	vor.u32 v1, v41;
	v44 =	vor.u32 v12, v41;
	v45 =	vld.idx.msk [tilespmem:v36+s13+$0x0], $0xffff  }
0x4c: {  	v46 =	vor.u32 v2, v41;
	v47 =	vor.u32 v3, v41;
	v48 =	vor.u32 v4, v41;
	v49 =	vld.idx.msk [tilespmem:v34+s13+$0x0], $0xffff  }
0x4d: {  	v50 =	vor.u32 v5, v41;
	v51 =	vor.u32 v6, v41;
	v38 =	vor.u32 v7, v41;
	v52 =	vld.idx.msk [tilespmem:v32+s13+$0x0], $0xffff  }
0x4e: {  	v36 =	vor.u32 v8, v41;
	v34 =	vor.u32 v9, v41;
	v32 =	vor.u32 v10, v41;
	v53 =	vld.idx.msk [tilespmem:v31+s13+$0x0], $0xffff  }
0x4f: {  	v28 =	vmul.f32 v28, v23;
	v29 =	vmul.f32 v29, v23;
	v31 =	vor.u32 v11, v41;
	v40 =	vld.idx.msk [tilespmem:v40+s12+$0x0], $0xffff  }
0x50: {  	v26 =	vadd.f32 v39, v26;
	v30 =	vmul.f32 v30, v23;
	v33 =	vmul.f32 v33, v23;
	v41 =	vld.idx.msk [tilespmem:v44+s13+$0x0], $0xffff  }
0x51: {  	v25 =	vadd.f32 v37, v25;
	v39 =	vld.idx.msk [tilespmem:v27+s13+$0x0], $0xffff;
	v27 =	vmul.f32 v35, v23;
	v35 =	vmul.f32 v42, v23  }
0x52: {  	v24 =	vadd.f32 v28, v24;
	v42 =	vmul.f32 v45, v23;
	v37 =	vld.idx.msk [tilespmem:v43+s13+$0x0], $0xffff;
	v43 =	vmul.f32 v49, v23  }
.Ltmp0:
0x53: {  	v22 =	vadd.f32 v29, v22;
	v21 =	vadd.f32 v30, v21;
	v44 =	vmul.f32 v52, v23;
	v28 =	vld.idx.msk [tilespmem:v46+s13+$0x0], $0xffff;
	(pc) =	sbr.rel @p0 .LBB2_3-.Ltmp0, $4  }
0x54: {  	v20 =	vadd.f32 v33, v20;
	v19 =	vadd.f32 v27, v19;
	v45 =	vmul.f32 v53, v23;
	v29 =	vld.idx.msk [tilespmem:v47+s13+$0x0], $0xffff  }
0x55: {  	v18 =	vadd.f32 v35, v18;
	v17 =	vadd.f32 v42, v17;
	v23 =	vmov v40;
	v30 =	vld.idx.msk [tilespmem:v48+s13+$0x0], $0xffff  }
0x56: {  	v16 =	vadd.f32 v43, v16;
	v15 =	vadd.f32 v44, v15;
	v27 =	vmul.f32 v41, v23;
	v33 =	vld.idx.msk [tilespmem:v50+s13+$0x0], $0xffff  }
0x57: {  	v40 =	vmov s22;
	s22 =	sadd.s32 $0x1, s22;
	v14 =	vadd.f32 v45, v14;
	v39 =	vmul.f32 v39, v23;
	v35 =	vld.idx.msk [tilespmem:v51+s13+$0x0], $0xffff  }
0x58: {  	_ =	sdelay $0x3  }
0x59: {  	v41 =	vand.u32 $0x3F, v40;
	v38 =	vld.idx.msk [tilespmem:v38+s13+$0x0], $0xffff  }
0x5a: {  	v36 =	vld.idx.msk [tilespmem:v36+s13+$0x0], $0xffff;
	v42 =	vor.u32 v12, v41  }
0x5b: {  	v34 =	vld.idx.msk [tilespmem:v34+s13+$0x0], $0xffff;
	v43 =	vor.u32 v0, v41  }
0x5c: {  	v32 =	vld.idx.msk [tilespmem:v32+s13+$0x0], $0xffff;
	v44 =	vor.u32 v1, v41  }
0x5d: {  	v31 =	vld.idx.msk [tilespmem:v31+s13+$0x0], $0xffff;
	v45 =	vor.u32 v2, v41  }
0x5e: {  	v40 =	vld.idx.msk [tilespmem:v40+s12+$0x0], $0xffff;
	v46 =	vor.u32 v3, v41  }
0x5f: {  	v47 =	vor.u32 v4, v41;
	v42 =	vld.idx.msk [tilespmem:v42+s13+$0x0], $0xffff  }
0x60: {  	v48 =	vor.u32 v5, v41;
	v43 =	vld.idx.msk [tilespmem:v43+s13+$0x0], $0xffff  }
0x61: {  	v49 =	vor.u32 v6, v41;
	v44 =	vld.idx.msk [tilespmem:v44+s13+$0x0], $0xffff  }
0x62: {  	v37 =	vmul.f32 v37, v23;
	v28 =	vmul.f32 v28, v23;
	v50 =	vor.u32 v7, v41;
	v45 =	vld.idx.msk [tilespmem:v45+s13+$0x0], $0xffff  }
0x63: {  	v51 =	vor.u32 v8, v41;
	v52 =	vor.u32 v9, v41;
	v26 =	vadd.f32 v39, v26;
	v46 =	vld.idx.msk [tilespmem:v46+s13+$0x0], $0xffff  }
0x64: {  	v57 =	vor.u32 v10, v41;
	v29 =	vmul.f32 v29, v23;
	v41 =	vor.u32 v11, v41;
	v56 =	vld.idx.msk [tilespmem:v47+s13+$0x0], $0xffff  }
0x65: {  	v30 =	vmul.f32 v30, v23;
	v25 =	vadd.f32 v37, v25;
	v33 =	vmul.f32 v33, v23;
	v48 =	vld.idx.msk [tilespmem:v48+s13+$0x0], $0xffff  }
0x66: {  	v24 =	vadd.f32 v28, v24;
	v35 =	vmul.f32 v35, v23;
	v58 =	vmul.f32 v38, v23;
	v49 =	vld.idx.msk [tilespmem:v49+s13+$0x0], $0xffff  }
0x67: {  	v22 =	vadd.f32 v29, v22;
	v60 =	vmul.f32 v36, v23;
	v59 =	vld.idx.msk [tilespmem:v50+s13+$0x0], $0xffff;
	v61 =	vmul.f32 v43, v40  }
0x68: {  	v21 =	vadd.f32 v30, v21;
	v34 =	vmul.f32 v34, v23;
	v62 =	vld.idx.msk [tilespmem:v51+s13+$0x0], $0xffff;
	v63 =	vmul.f32 v44, v40  }
0x69: {  	v32 =	vmul.f32 v32, v23;
	v50 =	vld.idx.msk [tilespmem:v52+s13+$0x0], $0xffff;
	v45 =	vmul.f32 v45, v40;
	v26 =	vadd.f32 v61, v26  }
0x6a: {  	v20 =	vadd.f32 v33, v20;
	v51 =	vld.idx.msk [tilespmem:v57+s13+$0x0], $0xffff;
	v53 =	vmul.f32 v46, v40;
	v25 =	vadd.f32 v63, v25  }
0x6b: {  	v52 =	vld.idx.msk [tilespmem:v41+s13+$0x0], $0xffff;
	v54 =	vmul.f32 v56, v40;
	v24 =	vadd.f32 v45, v24;
	[tilespmem:$0x35E0] =	vst v26  }
0x6c: {  	v19 =	vadd.f32 v35, v19;
	v55 =	vmul.f32 v48, v40;
	v22 =	vadd.f32 v53, v22;
	[tilespmem:$0x35F0] =	vst v25  }
0x6d: {  	v18 =	vadd.f32 v58, v18;
	v57 =	vmul.f32 v49, v40;
	v21 =	vadd.f32 v54, v21;
	[tilespmem:$0x3600] =	vst v24  }
0x6e: {  	v17 =	vadd.f32 v60, v17;
	v58 =	vmul.f32 v59, v40;
	v20 =	vadd.f32 v55, v20;
	[tilespmem:$0x3610] =	vst v22  }
0x6f: {  	v16 =	vadd.f32 v34, v16;
	v59 =	vmul.f32 v62, v40;
	v19 =	vadd.f32 v57, v19;
	[tilespmem:$0x3620] =	vst v21  }
0x70: {  	v56 =	vmul.f32 v31, v23;
	v60 =	vmul.f32 v50, v40;
	v18 =	vadd.f32 v58, v18;
	[tilespmem:$0x3630] =	vst v20  }
0x71: {  	v15 =	vadd.f32 v32, v15;
	v61 =	vmul.f32 v51, v40;
	v17 =	vadd.f32 v59, v17;
	[tilespmem:$0x3640] =	vst v19  }
0x72: {  	v62 =	vmul.f32 v52, v40;
	v14 =	vadd.f32 v56, v14;
	v16 =	vadd.f32 v60, v16;
	[tilespmem:$0x3650] =	vst v18  }
0x73: {  	v13 =	vadd.f32 v27, v13;
	v63 =	vmul.f32 v42, v40;
	v15 =	vadd.f32 v61, v15;
	[tilespmem:$0x3660] =	vst v17  }
0x74: {  	v14 =	vadd.f32 v62, v14;
	[tilespmem:$0x3670] =	vst v16  }
0x75: {  	s20 =	sadd.s32 $0x1, s20;
	v13 =	vadd.f32 v63, v13;
	[tilespmem:$0x3680] =	vst v15  }
0x76: {  	p0 =	sne.s32 s20, $0x80;
	[tilespmem:$0x3690] =	vst v14  }
.Ltmp1:
0x77: {  	s21 =	sadd.s32 s7, s21;
	[tilespmem:$0x36A0] =	vst v13;
	(pc) =	sbr.rel @p0 .LBB2_2-.Ltmp1, $4  }
0x78: {  	[hbm4b:s21+s2] =	stream.linear.scatter [tilespmem:s18], [sflag:$0x2], $0xC8, $0x38;
	[tilespmem:$0x36B0] =	vst v63  }
0x79: {  	_ =	swait.ge [sflag:s10], $0xC8  }
0x7a: {  	[sflag:s10] =	ssyncset.done $0x0  }
0x7b: {  	[sflag:s10] =	ssyncadd.s32 $0xFFFFFF38  }
0x7c: {  	s19 =	sadd.s32 $0x1, s19  }
0x7d: {  	p0 =	sne.s32 s19, s9  }
.Ltmp2:
0x7e: {  	_ = 	snop;
	(pc) =	sbr.rel @p0 .LBB2_1-.Ltmp2, $1  }
0x7f: {  	_ =	sdelay $0x3  }
0x80: {  	_ =	sfence.sel $0x180000  }
0x81: {  	[bflag:$0x0] =	sbarrier.arrive $0xFFFF  }
0x82: {  	p0 =	sne.s32 s5, $0x0;
	_ =	strace $0x90000047  }
0x83: {  	s0 =	sadd.s32 @!p0 $0x100000, s0;
	[bflag:$0x2] =	sbarrier.arrive $0xFFFF  }
0x84: {  	[sflag:s0] =	ssyncadd.tile.s32 @!p0 $0x1;
	_ =	shalt  }
.Lfunc_end2:
_tile_overlayer_lowered:
.L_overlay_start_2:
0x85: {  	(tag) =	ssettag $0x2  }
0x86: {  	s0 =	rddreg [dreg:$0x0];
	s2 =	stileid.u32  }
0x87: {  	s1 =	rddreg [dreg:$0x1];
	p0 =	sne.s32 s2, $0x0  }
0x88: {  	s3 =	rddreg [dreg:$0x2];
	[bflag:$0x3] =	sbarrier.arrive $0xFFFF;
	s2 =	simm.s32 @!p0 $0x1C02  }
0x89: {  	[timem:s3], [sflag:s2] =	dma.local @!p0 [hbm:s0], s1  }
0x8a: {  	s0 =	simm.s32 @!p0 $0x2  }
0x8b: {  	_ =	swait.ge @!p0 [sflag:s0], s1  }
0x8c: {  	s1 =	ssub.s32 @!p0 $0x0, s1;
	[sflag:s0] =	ssyncset.done @!p0 $0x0  }
0x8d: {  	[sflag:s0] =	ssyncadd.s32 @!p0 s1  }
0x8e: {  	[bflag:$0x3] =	sbarrier.arrive $0xFFFF  }
0x8f: {  	_ =	shalt  }

</sc_bundles>
